<compile_context>
chip_gen: v7x
topology: tpu7x:2x2x1
jax: 0.10.2.dev20260603
libtpu: 0.0.44.dev20260713+nightly
codegen_flags: <defaults>
</compile_context>

<pallas_src>
import dataclasses
import functools

import jax
import jax.numpy as jnp
from jax import lax
from jax.experimental import pallas as pl
from jax.experimental.pallas import tpu as pltpu
from jax.experimental.pallas import tpu_sc as plsc

N = 10000
E = 160000
F = 256
H = 128
C = 16

NC = 2
NS = 16
LANES = 16

NPAD = 10240
_vmesh = plsc.VectorSubcoreMesh(core_axis_name="c", subcore_axis_name="s")



_DEG_EPT = E // (NC * NS)
_DEG_NCH = _DEG_EPT // LANES

_deg_cp = pltpu.CompilerParams()
if "needs_layout_passes" in pltpu.CompilerParams.__dataclass_fields__:
    _deg_cp = dataclasses.replace(_deg_cp, needs_layout_passes=False)


@jax.jit
def _sc_degree(dst):
    @functools.partial(
        pl.kernel,
        mesh=_vmesh,
        compiler_params=_deg_cp,
        out_type=jax.ShapeDtypeStruct((NC * NS, NPAD), jnp.float32),
        scratch_types=[
            pltpu.VMEM((NPAD,), jnp.float32),
            pltpu.VMEM((_DEG_EPT + 16,), jnp.int32),
            pltpu.SemaphoreType.DMA,
        ],
    )
    def k(dst_hbm, out_hbm, hist, dstv, sem):
        c = lax.axis_index("c")
        s = lax.axis_index("s")
        wid = c * NS + s

        cp = pltpu.async_copy(
            dst_hbm.at[pl.ds(wid * _DEG_EPT, _DEG_EPT)],
            dstv.at[pl.ds(0, _DEG_EPT)], sem)

        zero16 = jnp.zeros((LANES,), jnp.float32)

        @pl.loop(0, NPAD // LANES)
        def _(j):
            hist[pl.ds(j * LANES, LANES)] = zero16

        cp.wait()

        ones = jnp.full((LANES,), 1.0, jnp.float32)

        @pl.loop(0, _DEG_NCH)
        def _(j):
            idx = dstv[pl.ds(j * LANES, LANES)]
            plsc.addupdate_scatter(hist, [idx], ones)

        rem_idx = dstv[pl.ds(_DEG_NCH * LANES, LANES)]
        mask = lax.iota(jnp.int32, LANES) < (_DEG_EPT - _DEG_NCH * LANES)
        plsc.addupdate_scatter(hist, [rem_idx], ones, mask=mask)

        pltpu.sync_copy(hist, out_hbm.at[wid])

    return k(dst)



_P_EPT = E // NS
_P_B = 80
_P_NB = _P_EPT // _P_B
_P_RPT = NPAD // NS


@jax.jit
def _sc_propagate(xs_lo, xs_hi, src, dst):
    @functools.partial(
        pl.kernel,
        mesh=_vmesh,
        out_type=[
            jax.ShapeDtypeStruct((NPAD, H), jnp.float32),
            jax.ShapeDtypeStruct((NPAD, H), jnp.float32),
        ],
        scratch_types=[
            pltpu.VMEM_SHARED((NPAD, H), jnp.float32),
            pltpu.VMEM((_P_EPT,), jnp.int32),
            pltpu.VMEM((_P_EPT,), jnp.int32),
        ] + [pltpu.VMEM((_P_B,), jnp.int32) for _ in range(4)] + [
            pltpu.VMEM((_P_B, H), jnp.float32) for _ in range(2)
        ] + [pltpu.SemaphoreType.DMA for _ in range(6)],
    )
    def k(xlo_hbm, xhi_hbm, src_hbm, dst_hbm, olo_hbm, ohi_hbm,
          acc, srcv, dstv,
          sb0, db0, sb1, db1, rw0, rw1,
          semi, semz, sg0, sg1, ss0, ss1):
        c = lax.axis_index("c")
        s = lax.axis_index("s")
        ebase = s * _P_EPT
        rbase = s * _P_RPT
        srcb = [sb0, sb1]
        dstb = [db0, db1]
        rows = [rw0, rw1]
        semg = [sg0, sg1]
        sems = [ss0, ss1]

        def run(tab_hbm, out_hbm):
            cp_s = pltpu.async_copy(src_hbm.at[pl.ds(ebase, _P_EPT)], srcv, semi)
            cp_d = pltpu.async_copy(dst_hbm.at[pl.ds(ebase, _P_EPT)], dstv, semi)

            @pl.loop(0, _P_B)
            def _(r):
                for j in range(H // LANES):
                    rows[0][r, pl.ds(j * LANES, LANES)] = jnp.zeros(
                        (LANES,), jnp.float32
                    )

            zcps = [
                pltpu.async_copy(
                    rows[0], acc.at[pl.ds(rbase + i * _P_B, _P_B)], semz)
                for i in range(_P_RPT // _P_B)
            ]
            for cp in zcps:
                cp.wait()

            cp_s.wait()
            cp_d.wait()
            plsc.subcore_barrier()

            def fill(b, p):
                e0 = b * _P_B
                for j in range(_P_B // LANES):
                    srcb[p][pl.ds(j * LANES, LANES)] = srcv[
                        pl.ds(e0 + j * LANES, LANES)
                    ]
                    dstb[p][pl.ds(j * LANES, LANES)] = dstv[
                        pl.ds(e0 + j * LANES, LANES)
                    ]

            def gstart(p):
                pltpu.async_copy(tab_hbm.at[srcb[p]], rows[p], semg[p])

            def gwait(p):
                pltpu.make_async_copy(tab_hbm.at[srcb[p]], rows[p],
                                      semg[p]).wait()

            def sstart(p):
                pltpu.async_copy(rows[p], acc.at[dstb[p]], sems[p], add=True)

            def swait(p):
                pltpu.make_async_copy(rows[p], acc.at[dstb[p]],
                                      sems[p]).wait()

            fill(0, 0)
            gstart(0)

            @pl.loop(0, _P_NB // 2)
            def _(i):
                b = 2 * i
                fill(b + 1, 1)
                gstart(1)
                gwait(0)
                sstart(0)
                swait(0)
                fill(b + 2, 0)
                gstart(0)
                gwait(1)
                sstart(1)
                swait(1)

            gwait(0)
            pltpu.sync_copy(rows[0], acc.at[dstb[0]], add=True)

            plsc.subcore_barrier()
            pltpu.sync_copy(
                acc.at[pl.ds(rbase, _P_RPT)], out_hbm.at[pl.ds(rbase, _P_RPT)]
            )

        @pl.when(c == 0)
        def _():
            run(xlo_hbm, olo_hbm)

        @pl.when(c == 1)
        def _():
            run(xhi_hbm, ohi_hbm)

    return k(xs_lo, xs_hi, src, dst)




def _evolve_body(W1_r, Wih1_r, b1_r, W2_r, Wih2_r, b2_r, dm_r,
                 We1_r, We2_r, dinv_r):
    def evolve(W, Wih, b):
        gates = (
            lax.dot_general(W, Wih, (((1,), (1,)), ((), ())),
                            preferred_element_type=jnp.float32)
            + b
        )
        i = gates[:, :F]
        g = gates[:, 2 * F:3 * F]
        o = gates[:, 3 * F:]
        return jax.nn.sigmoid(o) * jnp.tanh(jax.nn.sigmoid(i) * jnp.tanh(g))

    We1_r[...] = evolve(W1_r[...], Wih1_r[...], b1_r[...])
    We2_r[...] = evolve(W2_r[...], Wih2_r[...], b2_r[...])
    ones = jnp.full((NC * NS, 1), 1.0, jnp.float32)
    deg = lax.dot_general(dm_r[...], ones, (((0,), (0,)), ((), ())),
                          preferred_element_type=jnp.float32) + 1.0
    dinv_r[...] = lax.rsqrt(deg)


@jax.jit
def _tc_evolve(W1, Wih1, b1, W2, Wih2, b2, degm):
    return pl.pallas_call(
        _evolve_body,
        out_shape=[
            jax.ShapeDtypeStruct((F, F), jnp.float32),
            jax.ShapeDtypeStruct((F, F), jnp.float32),
            jax.ShapeDtypeStruct((NPAD, 1), jnp.float32),
        ],
    )(W1, Wih1, b1, W2, Wih2, b2, degm)



_R = 2000





def _mm1_body(x_r, We_r, dinv_r, lo_r, hi_r):
    xw = jnp.dot(x_r[...], We_r[...], preferred_element_type=jnp.float32)
    xs = dinv_r[...] * xw
    lo_r[...] = xs[:, :H]
    hi_r[...] = xs[:, H:]


@jax.jit
def _tc_mm1(x, We1, dinv):
    grid = (N // _R,)
    return pl.pallas_call(
        _mm1_body,
        grid=grid,
        in_specs=[
            pl.BlockSpec((_R, F), lambda i: (i, 0)),
            pl.BlockSpec((F, F), lambda i: (0, 0)),
            pl.BlockSpec((_R, 1), lambda i: (i, 0)),
        ],
        out_specs=[
            pl.BlockSpec((_R, H), lambda i: (i, 0)),
            pl.BlockSpec((_R, H), lambda i: (i, 0)),
        ],
        out_shape=[
            jax.ShapeDtypeStruct((N, H), jnp.float32),
            jax.ShapeDtypeStruct((N, H), jnp.float32),
        ],
    )(x, We1, dinv)


def _mid_body(alo_r, ahi_r, xlo_r, xhi_r, dinv_r, We_r, lo_r, hi_r):
    dinv = dinv_r[...]
    h_lo = jnp.maximum(dinv * (alo_r[...] + xlo_r[...]), 0.0)
    h_hi = jnp.maximum(dinv * (ahi_r[...] + xhi_r[...]), 0.0)
    h = jnp.concatenate([h_lo, h_hi], axis=1)
    ys = dinv * jnp.dot(h, We_r[...], preferred_element_type=jnp.float32)
    lo_r[...] = ys[:, :H]
    hi_r[...] = ys[:, H:]


@jax.jit
def _tc_mid(alo, ahi, xlo, xhi, dinv, We2):
    grid = (N // _R,)
    bspec_h = pl.BlockSpec((_R, H), lambda i: (i, 0))
    return pl.pallas_call(
        _mid_body,
        grid=grid,
        in_specs=[
            bspec_h, bspec_h, bspec_h, bspec_h,
            pl.BlockSpec((_R, 1), lambda i: (i, 0)),
            pl.BlockSpec((F, F), lambda i: (0, 0)),
        ],
        out_specs=[bspec_h, bspec_h],
        out_shape=[
            jax.ShapeDtypeStruct((N, H), jnp.float32),
            jax.ShapeDtypeStruct((N, H), jnp.float32),
        ],
    )(alo, ahi, xlo, xhi, dinv, We2)


def _final_body(alo_r, ahi_r, xlo_r, xhi_r, dinv_r, Wlin_r, blin_r, out_r):
    dinv = dinv_r[...]
    h_lo = jnp.maximum(dinv * (alo_r[...] + xlo_r[...]), 0.0)
    h_hi = jnp.maximum(dinv * (ahi_r[...] + xhi_r[...]), 0.0)
    h = jnp.concatenate([h_lo, h_hi], axis=1)
    logits = (
        lax.dot_general(h, Wlin_r[...], (((1,), (1,)), ((), ())),
                        preferred_element_type=jnp.float32)
        + blin_r[...]
    )
    z = logits - jnp.max(logits, axis=-1, keepdims=True)
    lse = jnp.log(jnp.sum(jnp.exp(z), axis=-1, keepdims=True))
    out_r[...] = z - lse


@jax.jit
def _tc_final(alo, ahi, xlo, xhi, dinv, Wlin, blin):
    grid = (N // _R,)
    bspec_h = pl.BlockSpec((_R, H), lambda i: (i, 0))
    return pl.pallas_call(
        _final_body,
        grid=grid,
        in_specs=[
            bspec_h, bspec_h, bspec_h, bspec_h,
            pl.BlockSpec((_R, 1), lambda i: (i, 0)),
            pl.BlockSpec((C, F), lambda i: (0, 0)),
            pl.BlockSpec((1, C), lambda i: (0, 0)),
        ],
        out_specs=pl.BlockSpec((_R, C), lambda i: (i, 0)),
        out_shape=jax.ShapeDtypeStruct((N, C), jnp.float32),
    )(alo, ahi, xlo, xhi, dinv, Wlin, blin.reshape(1, C))




def kernel(x, edge_index, W1, Wih1, bih1, bhh1, W2, Wih2, bih2, bhh2,
           Wlin, blin):
    src = edge_index[0]
    dst = edge_index[1]

    degm = _sc_degree(dst)

    We1, We2, dinv = _tc_evolve(
        W1, Wih1, (bih1 + bhh1).reshape(1, 4 * F),
        W2, Wih2, (bih2 + bhh2).reshape(1, 4 * F), degm,
    )

    xs_lo, xs_hi = _tc_mm1(x, We1, dinv)
    a1_lo, a1_hi = _sc_propagate(xs_lo, xs_hi, src, dst)
    ys_lo, ys_hi = _tc_mid(a1_lo, a1_hi, xs_lo, xs_hi, dinv, We2)
    a2_lo, a2_hi = _sc_propagate(ys_lo, ys_hi, src, dst)
    return _tc_final(a2_lo, a2_hi, ys_lo, ys_hi, dinv, Wlin, blin)

# --- scband reference (transcript-rebuilt; emitter-appended) ---
"""Pipeline reference for scband-recurrent-gcn-9861244911800 (READ-ONLY COPY).

The authoritative reference and input builder live on the scoring server;
editing this copy changes nothing except your own understanding.
"""

import jax, jax.numpy as jnp
import numpy as np

N = 10000
E = 160000
F = 256
C = 16


def _evolve_weight(W, W_ih, b_ih, b_hh):
    # EvolveGCN-O: weight matrix evolved by an LSTM (single forward call,
    # zero initial hidden/cell state, each row of W is an LSTM input).
    gates = W @ W_ih.T + b_ih + b_hh  # h0 = 0 => W_hh @ h0 term vanishes
    i, f, g, o = jnp.split(gates, 4, axis=-1)
    i = jax.nn.sigmoid(i)
    f = jax.nn.sigmoid(f)
    g = jnp.tanh(g)
    o = jax.nn.sigmoid(o)
    c = i * g  # c0 = 0 => f * c0 term vanishes
    h = o * jnp.tanh(c)
    return h


def _gcn_conv(x, edge_index, W):
    # GCNConv with fixed (evolved) weight: D^{-1/2}(A+I)D^{-1/2} X W
    xw = x @ W
    src = edge_index[0]
    dst = edge_index[1]
    loop = jnp.arange(N, dtype=src.dtype)
    src2 = jnp.concatenate([src, loop])
    dst2 = jnp.concatenate([dst, loop])
    deg = jnp.zeros((N,), dtype=xw.dtype).at[dst2].add(1.0)
    dinv = jnp.where(deg > 0, jax.lax.rsqrt(deg), 0.0)
    norm = dinv[src2] * dinv[dst2]
    msg = xw[src2] * norm[:, None]
    out = jnp.zeros((N, xw.shape[1]), dtype=xw.dtype).at[dst2].add(msg)
    return out


def setup_inputs(seed: int = 0) -> dict:
    key = jax.random.key(seed)
    ks = jax.random.split(key, 14)
    x = jax.random.normal(ks[0], (N, F), dtype=jnp.float32)
    edge_index = jax.random.randint(ks[1], (2, E), 0, N, dtype=jnp.int32)
    s = 1.0 / np.sqrt(F)
    # EvolveGCNO layer 1
    W1 = jax.random.normal(ks[2], (F, F), dtype=jnp.float32) * s
    Wih1 = jax.random.normal(ks[3], (4 * F, F), dtype=jnp.float32) * s
    bih1 = jax.random.normal(ks[4], (4 * F,), dtype=jnp.float32) * s
    bhh1 = jax.random.normal(ks[5], (4 * F,), dtype=jnp.float32) * s
    # EvolveGCNO layer 2
    W2 = jax.random.normal(ks[6], (F, F), dtype=jnp.float32) * s
    Wih2 = jax.random.normal(ks[7], (4 * F, F), dtype=jnp.float32) * s
    bih2 = jax.random.normal(ks[8], (4 * F,), dtype=jnp.float32) * s
    bhh2 = jax.random.normal(ks[9], (4 * F,), dtype=jnp.float32) * s
    # final Linear(node_features -> num_classes)
    Wlin = jax.random.normal(ks[10], (C, F), dtype=jnp.float32) * s
    blin = jax.random.normal(ks[11], (C,), dtype=jnp.float32) * s
    return {
        "x": x, "edge_index": edge_index,
        "W1": W1, "Wih1": Wih1, "bih1": bih1, "bhh1": bhh1,
        "W2": W2, "Wih2": Wih2, "bih2": bih2, "bhh2": bhh2,
        "Wlin": Wlin, "blin": blin,
    }


def reference(x, edge_index, W1, Wih1, bih1, bhh1, W2, Wih2, bih2, bhh2, Wlin, blin):
    # recurrent_1 (EvolveGCNO)
    We1 = _evolve_weight(W1, Wih1, bih1, bhh1)
    h = _gcn_conv(x, edge_index, We1)
    h = jax.nn.relu(h)
    # dropout: eval mode -> identity
    # recurrent_2 (EvolveGCNO)
    We2 = _evolve_weight(W2, Wih2, bih2, bhh2)
    h = _gcn_conv(h, edge_index, We2)
    h = jax.nn.relu(h)
    logits = h @ Wlin.T + blin
    return jax.nn.log_softmax(logits, axis=-1)

if __name__ == "__main__":
    import jax
    _d = setup_inputs()
    print(jax.jit(kernel)(*tuple(_d.values())))

</pallas_src>

<mosaic_0001>
#map = affine_map<(d0, d1) -> (0)>
#map1 = affine_map<(d0, d1) -> (0, 0)>
module attributes {stable_mosaic.version = 14 : i64} {
  func.func @k(%arg0: i32, %arg1: i32, %arg2: memref<160000xi32, #tpu.memory_space<hbm>>, %arg3: memref<32x10240xf32, #tpu.memory_space<hbm>>, %arg4: memref<10240xf32, #tpu.memory_space<vmem>>, %arg5: memref<5016xi32, #tpu.memory_space<vmem>>, %arg6: memref<!tpu.dma_semaphore, #tpu.memory_space<semaphore_mem>>) attributes {dimension_semantics = [#tpu.dimension_semantics<core_parallel>, #tpu.dimension_semantics<subcore_parallel>], iteration_bounds = array<i64: 2, 16>, scalar_prefetch = 0 : i64, scratch_operands = 3 : i64, tpu.core_type = #tpu.core_type<sc_vector_subcore>, window_params = [{transform_indices = #map}, {transform_indices = #map1}]} {
    %mul3A = arith.constant 16 : i32
    %mul3A_0 = arith.muli %arg0, %mul3A : i32
    %add3A = arith.addi %mul3A_0, %arg1 : i32
    %mul3A_1 = arith.constant 5000 : i32
    %mul3A_2 = arith.muli %add3A, %mul3A_1 : i32
    %dma_start3A = arith.constant 0 : i32
    %dma_start3A_3 = tpu.memref_slice %arg5[%dma_start3A] : memref<5016xi32, #tpu.memory_space<vmem>> -> memref<5000xi32, #tpu.memory_space<vmem>>
    %dma_start3A_4 = tpu.memref_slice %arg2[%mul3A_2] : memref<160000xi32, #tpu.memory_space<hbm>> -> memref<5000xi32, #tpu.memory_space<hbm>>
    %dma_start3A_5 = arith.constant 0 : i32
    %dma_start3A_6 = tpu.memref_slice %arg5[%dma_start3A_5] : memref<5016xi32, #tpu.memory_space<vmem>> -> memref<5000xi32, #tpu.memory_space<vmem>>
    %dma_start3A_7 = tpu.memref_slice %arg2[%mul3A_2] : memref<160000xi32, #tpu.memory_space<hbm>> -> memref<5000xi32, #tpu.memory_space<hbm>>
    tpu.enqueue_dma source(%dma_start3A_7 : memref<5000xi32, #tpu.memory_space<hbm>>) target(%dma_start3A_6 : memref<5000xi32, #tpu.memory_space<vmem>>) target_semaphore(%arg6 : memref<!tpu.dma_semaphore, #tpu.memory_space<semaphore_mem>>)
    %broadcast_in_dim3A = arith.constant 0.000000e+00 : f32
    %broadcast_in_dim3A_8 = vector.broadcast %broadcast_in_dim3A : f32 to vector<16xf32>
    %scan3A = arith.constant 0 : i32
    %scan3A_9 = arith.constant 640 : i32
    %scan3A_10 = arith.addi %scan3A, %scan3A_9 : i32
    %scan3A_11 = arith.constant 1 : i32
    scf.for %scan3A_28 = %scan3A to %scan3A_10 step %scan3A_11  : i32 {
      %mul3A_29 = arith.constant 1 : i32
      %mul3A_30 = arith.muli %scan3A_28, %mul3A_29 : i32
      %add3A_31 = arith.constant 0 : i32
      %add3A_32 = arith.addi %add3A_31, %mul3A_30 : i32
      %mul3A_33 = arith.constant 16 : i32
      %mul3A_34 = arith.muli %add3A_32, %mul3A_33 : i32
      %swap3A = arith.index_cast %mul3A_34 : i32 to index
      %swap3A_35 = tpu.vector_load %arg4[%swap3A] {strides = array<i32>} : memref<10240xf32, #tpu.memory_space<vmem>>, vector<16xf32>,
      tpu.vector_store %arg4[%swap3A], %broadcast_in_dim3A_8 {strides = array<i32>} : memref<10240xf32, #tpu.memory_space<vmem>>, vector<16xf32>,
    }
    %scan3A_12 = arith.constant 640 : i32
    %dma_wait3A = arith.constant 0 : i32
    %dma_wait3A_13 = tpu.memref_slice %arg5[%dma_wait3A] : memref<5016xi32, #tpu.memory_space<vmem>> -> memref<5000xi32, #tpu.memory_space<vmem>>
    %dma_wait3A_14 = tpu.memref_slice %arg2[%mul3A_2] : memref<160000xi32, #tpu.memory_space<hbm>> -> memref<5000xi32, #tpu.memory_space<hbm>>
    %dma_wait3A_15 = arith.constant 0 : i32
    %dma_wait3A_16 = tpu.memref_slice %arg5[%dma_wait3A_15] : memref<5016xi32, #tpu.memory_space<vmem>> -> memref<5000xi32, #tpu.memory_space<vmem>>
    %dma_wait3A_17 = tpu.memref_slice %arg2[%mul3A_2] : memref<160000xi32, #tpu.memory_space<hbm>> -> memref<5000xi32, #tpu.memory_space<hbm>>
    tpu.wait_dma2 semaphore(%arg6 : memref<!tpu.dma_semaphore, #tpu.memory_space<semaphore_mem>>) src(%dma_wait3A_17 : memref<5000xi32, #tpu.memory_space<hbm>>) dst(%dma_wait3A_16 : memref<5000xi32, #tpu.memory_space<vmem>>)
    %broadcast_in_dim3A_18 = arith.constant 1.000000e+00 : f32
    %broadcast_in_dim3A_19 = vector.broadcast %broadcast_in_dim3A_18 : f32 to vector<16xf32>
    %scan3A_20 = arith.constant 0 : i32
    %scan3A_21 = arith.constant 312 : i32
    %scan3A_22 = arith.addi %scan3A_20, %scan3A_21 : i32
    %scan3A_23 = arith.constant 1 : i32
    scf.for %scan3A_28 = %scan3A_20 to %scan3A_22 step %scan3A_23  : i32 {
      %mul3A_29 = arith.constant 1 : i32
      %mul3A_30 = arith.muli %scan3A_28, %mul3A_29 : i32
      %add3A_31 = arith.constant 0 : i32
      %add3A_32 = arith.addi %add3A_31, %mul3A_30 : i32
      %mul3A_33 = arith.constant 16 : i32
      %mul3A_34 = arith.muli %add3A_32, %mul3A_33 : i32
      %get3A_35 = arith.index_cast %mul3A_34 : i32 to index
      %get3A_36 = tpu.vector_load %arg5[%get3A_35] {strides = array<i32>} : memref<5016xi32, #tpu.memory_space<vmem>>, vector<16xi32>,
      tpu.vector_store_idx %arg4[%get3A_36], %broadcast_in_dim3A_19 {add = true} : memref<10240xf32, #tpu.memory_space<vmem>>[vector<16xi32>], vector<16xf32>,
    }
    %scan3A_24 = arith.constant 312 : i32
    %get3A = arith.constant 4992 : index
    %get3A_25 = tpu.vector_load %arg5[%get3A] {strides = array<i32>} : memref<5016xi32, #tpu.memory_space<vmem>>, vector<16xi32>,
    %iota3A = tpu.iota {dimensions = array<i32: 0>} : vector<16xi32>
    %lt3A = arith.constant 8 : i32
    %lt3A_26 = vector.broadcast %lt3A : i32 to vector<16xi32>
    %lt3A_27 = arith.cmpi slt, %iota3A, %lt3A_26 : vector<16xi32>
    tpu.vector_store_idx %arg4[%get3A_25], %broadcast_in_dim3A_19 masked %lt3A_27 {add = true} : memref<10240xf32, #tpu.memory_space<vmem>>[vector<16xi32>], vector<16xf32>, vector<16xi1>
    "tpu.region"() ({
      %run_scoped3A = tpu.sem_alloc : memref<!tpu.dma_semaphore, #tpu.memory_space<semaphore_mem>>
      %dma_start3A_28 = arith.constant 0 : i32
      %dma_start3A_29 = tpu.memref_slice %arg3[%add3A, %dma_start3A_28] : memref<32x10240xf32, #tpu.memory_space<hbm>> -> memref<1x10240xf32, #tpu.memory_space<hbm>>
      %dma_start3A_30 = tpu.memref_squeeze %dma_start3A_29 : memref<1x10240xf32, #tpu.memory_space<hbm>> -> memref<10240xf32, #tpu.memory_space<hbm>>
      %dma_start3A_31 = arith.constant 0 : i32
      %dma_start3A_32 = tpu.memref_slice %arg3[%add3A, %dma_start3A_31] : memref<32x10240xf32, #tpu.memory_space<hbm>> -> memref<1x10240xf32, #tpu.memory_space<hbm>>
      %dma_start3A_33 = tpu.memref_squeeze %dma_start3A_32 : memref<1x10240xf32, #tpu.memory_space<hbm>> -> memref<10240xf32, #tpu.memory_space<hbm>>
      tpu.enqueue_dma source(%arg4 : memref<10240xf32, #tpu.memory_space<vmem>>) target(%dma_start3A_33 : memref<10240xf32, #tpu.memory_space<hbm>>) target_semaphore(%run_scoped3A : memref<!tpu.dma_semaphore, #tpu.memory_space<semaphore_mem>>)
      %dma_wait3A_34 = arith.constant 0 : i32
      %dma_wait3A_35 = tpu.memref_slice %arg3[%add3A, %dma_wait3A_34] : memref<32x10240xf32, #tpu.memory_space<hbm>> -> memref<1x10240xf32, #tpu.memory_space<hbm>>
      %dma_wait3A_36 = tpu.memref_squeeze %dma_wait3A_35 : memref<1x10240xf32, #tpu.memory_space<hbm>> -> memref<10240xf32, #tpu.memory_space<hbm>>
      %dma_wait3A_37 = arith.constant 0 : i32
      %dma_wait3A_38 = tpu.memref_slice %arg3[%add3A, %dma_wait3A_37] : memref<32x10240xf32, #tpu.memory_space<hbm>> -> memref<1x10240xf32, #tpu.memory_space<hbm>>
      %dma_wait3A_39 = tpu.memref_squeeze %dma_wait3A_38 : memref<1x10240xf32, #tpu.memory_space<hbm>> -> memref<10240xf32, #tpu.memory_space<hbm>>
      tpu.wait_dma2 semaphore(%run_scoped3A : memref<!tpu.dma_semaphore, #tpu.memory_space<semaphore_mem>>) src(%arg4 : memref<10240xf32, #tpu.memory_space<vmem>>) dst(%dma_wait3A_39 : memref<10240xf32, #tpu.memory_space<hbm>>)
      tpu.yield
    }) : () -> ()
    return
  }
}

</mosaic_0001>

<sc_bundles>
// kernel: _sc_degree.3.cloned.1.call-start
scs
__scs_entry_jumppad:
0x0: {  	(pc) =	sbr.rel $0x88, $3  }
0x1: {  	(tag) =	ssettag $0x0;
	lr =	simm.s32 $0x1  }
0x2: {  	[smem:$0x3FA0] =	sst lr;
	_ =	strace $0xD0000000  }
0x3: {  	_ = 	snop  }
0x4: {  	_ = 	snop  }
0x5: {  	_ = 	snop  }
0x6: {  	_ = 	snop  }
0x7: {  	_ = 	snop  }
__scs_overlays_trampoline_lowered:
0x8: {  	[smem:$0x3FAF] =	sst s0  }
0x9: {  	[smem:$0x3FB0] =	sst s1  }
0xa: {  	[smem:$0x3FB1] =	sst s2  }
0xb: {  	[smem:$0x3FB2] =	sst s3  }
0xc: {  	[smem:$0x3FB3] =	sst s4  }
0xd: {  	[smem:$0x3FB4] =	sst s5  }
0xe: {  	[smem:$0x3FB5] =	sst s6  }
0xf: {  	[smem:$0x3FB6] =	sst s7  }
0x10: {  	[smem:$0x3FB7] =	sst s8  }
0x11: {  	[smem:$0x3FB8] =	sst s9;
	s0 =	simm.s32 @!p0 $0x0  }
0x12: {  	s1 =	sld [smem:$0x3F9E];
	s0 =	simm.s32 @p0 $0x1  }
0x13: {  	[smem:$0x3FB9] =	sst s0;
	s0 =	simm.s32 @!p1 $0x0  }
0x14: {  	s2 =	sld [smem:$0x3F9D];
	s0 =	simm.s32 @p1 $0x1  }
0x15: {  	[smem:$0x3FBA] =	sst s0;
	s0 =	simm.s32 @!p2 $0x0  }
0x16: {  	s3 =	sld [smem:$0x3FDB];
	s0 =	simm.s32 @p2 $0x1  }
0x17: {  	s4 =	simm.s32 $0x1BF5;
	[smem:$0x3FBC] =	sst s0  }
0x18: {  	s0 =	sld [smem:$0x3F9F];
	_ =	swait.ge [sflag:s4], $0x0  }
0x19: {  	s7 =	sld [smem:$0x3FA0]  }
0x1a: {  	s8 =	sadd.s32 $0xFFFFE003, lr  }
0x1b: {  	s9 =	sadd.s32 $0xFFFFFEF7, lr;
	s5 =	simm.s32 $0xFFFFFFFF;
	p2 =	slt.u32 s8, $0xFFFFF086  }
0x1c: {  	p1 =	slt.u32 s9, $0xF7A;
	s5 =	simm.s32 @!p2 $0x0  }
0x1d: {  	s5 =	simm.s32 @p1 $0x1;
	p0 =	seq.s32 s7, s2  }
0x1e: {  	s7 =	smul.u32 @!p0 $0xF7A, s2;
	p2 =	seq.s32 @!p0 s5, $0x0  }
0x1f: {  	s9 =	smul.u32 $0xF7A, s1;
	s8 =	simm.s32 @!p0 $0x1BF5;
	p2 =	por !p2, p0  }
0x20: {  	[sflag:s8] =	ssyncset.s32 @!p0 $0xFFFFF086;
	s6 =	sadd.s32 @!p0 s3, s7;
	s7 =	simm.s32 @!p0 $0x108  }
0x21: {  	s3 =	sadd.s32 s3, s9;
	s6 =	sadd.s32 @!p0 $0x88, s6;
	s7 =	simm.s32 @p2 $0x1082  }
0x22: {  	[simem:s7], [sflag:s8] =	dma.local @!p0 [hbm:s6], $0xF7A  }
0x23: {  	s9 =	sor.u32 $0xD0000000, s2;
	s6 =	simm.s32 $0x108;
	_ =	swait.ge @!p0 [sflag:s8], $0x0  }
0x24: {  	s3 =	sadd.s32 $0x88, s3;
	s6 =	simm.s32 @!p1 $0x1082;
	[sflag:s4] =	ssyncset.s32 $0xFFFFF086  }
0x25: {  	[simem:s6], [sflag:s4] =	dma.local [hbm:s3], $0xF7A  }
0x26: {  	[smem:$0x3FA0] =	sst s1;
	(tag) =	ssettag s2;
	_ =	strace s9  }
0x27: {  	s1 =	sld [smem:$0x3FB0]  }
0x28: {  	s2 =	sld [smem:$0x3FB1]  }
0x29: {  	s4 =	sld [smem:$0x3FB3]  }
0x2a: {  	p0 =	seq.s32 s5, $0x0;
	s5 =	sld [smem:$0x3FB4]  }
0x2b: {  	s6 =	sld [smem:$0x3FB5]  }
0x2c: {  	s7 =	sld [smem:$0x3FB6]  }
0x2d: {  	s3 =	simm.s32 $0x108;
	s8 =	sld [smem:$0x3FB7]  }
0x2e: {  	s3 =	simm.s32 @!p0 $0x1082;
	s9 =	sld [smem:$0x3FB8]  }
0x2f: {  	lr =	sadd.s32 s0, s3;
	s0 =	sld [smem:$0x3FAF]  }
0x30: {  	s3 =	sld [smem:$0x3FB2]  }
0x31: {  	[smem:$0x3FBB] =	sst s10  }
0x32: {  	s10 =	sld [smem:$0x3FB9];
	_ =	sdelay $0x3  }
0x33: {  	p0 =	seq.s32 s10, $0x1;
	s10 =	sld [smem:$0x3FBB];
	_ =	sdelay $0x3  }
0x34: {  	[smem:$0x3FBB] =	sst s10  }
0x35: {  	s10 =	sld [smem:$0x3FBA];
	_ =	sdelay $0x3  }
0x36: {  	p1 =	seq.s32 s10, $0x1;
	s10 =	sld [smem:$0x3FBB];
	_ =	sdelay $0x3  }
0x37: {  	[smem:$0x3FBB] =	sst s10  }
0x38: {  	s10 =	sld [smem:$0x3FBC]  }
0x39: {  	_ = 	snop;
	(pc) =	sbr.ind lr, $3  }
0x3a: {  	_ = 	snop  }
0x3b: {  	_ = 	snop  }
0x3c: {  	p2 =	seq.s32 s10, $0x1;
	s10 =	sld [smem:$0x3FBB]  }
0x3d: {  	_ =	shalt  }
0x3e: {  	_ =	shalt  }
0x3f: {  	_ =	shalt  }
0x40: {  	_ =	shalt  }
0x41: {  	_ =	shalt  }
0x42: {  	_ =	shalt  }
0x43: {  	_ =	shalt  }
0x44: {  	_ =	shalt  }
0x45: {  	_ =	shalt  }
0x46: {  	_ =	shalt  }
0x47: {  	_ =	shalt  }
0x48: {  	_ =	shalt  }
0x49: {  	_ =	shalt  }
0x4a: {  	_ =	shalt  }
0x4b: {  	_ =	shalt  }
0x4c: {  	_ =	shalt  }
0x4d: {  	_ =	shalt  }
0x4e: {  	_ =	shalt  }
0x4f: {  	_ =	shalt  }
0x50: {  	_ =	shalt  }
0x51: {  	_ =	shalt  }
0x52: {  	_ =	shalt  }
0x53: {  	_ =	shalt  }
0x54: {  	_ =	shalt  }
0x55: {  	_ =	shalt  }
0x56: {  	_ =	shalt  }
0x57: {  	_ =	shalt  }
0x58: {  	_ =	shalt  }
0x59: {  	_ =	shalt  }
0x5a: {  	_ =	shalt  }
0x5b: {  	_ =	shalt  }
0x5c: {  	_ =	shalt  }
0x5d: {  	_ =	shalt  }
0x5e: {  	_ =	shalt  }
0x5f: {  	_ =	shalt  }
0x60: {  	_ =	shalt  }
0x61: {  	_ =	shalt  }
0x62: {  	_ =	shalt  }
0x63: {  	_ =	shalt  }
0x64: {  	_ =	shalt  }
0x65: {  	_ =	shalt  }
0x66: {  	_ =	shalt  }
0x67: {  	_ =	shalt  }
0x68: {  	_ =	shalt  }
0x69: {  	_ =	shalt  }
0x6a: {  	_ =	shalt  }
0x6b: {  	_ =	shalt  }
0x6c: {  	_ =	shalt  }
0x6d: {  	_ =	shalt  }
0x6e: {  	_ =	shalt  }
0x6f: {  	_ =	shalt  }
0x70: {  	_ =	shalt  }
0x71: {  	_ =	shalt  }
0x72: {  	_ =	shalt  }
0x73: {  	_ =	shalt  }
0x74: {  	_ =	shalt  }
0x75: {  	_ =	shalt  }
0x76: {  	_ =	shalt  }
0x77: {  	_ =	shalt  }
0x78: {  	_ =	shalt  }
0x79: {  	_ =	shalt  }
0x7a: {  	_ =	shalt  }
0x7b: {  	_ =	shalt  }
0x7c: {  	_ =	shalt  }
0x7d: {  	_ =	shalt  }
0x7e: {  	_ =	shalt  }
0x7f: {  	_ =	shalt  }
0x80: {  	_ =	shalt  }
0x81: {  	_ =	shalt  }
0x82: {  	_ =	shalt  }
0x83: {  	_ =	shalt  }
0x84: {  	_ =	shalt  }
0x85: {  	_ =	shalt  }
0x86: {  	_ =	shalt  }
0x87: {  	_ =	shalt  }
.Lfunc_end0:
.L_simem_size_0:
called_computation_lowered:
.L_overlay_start_0:
0x88: {  	s2 =	sld [smem:$0x3FD9]  }
0x89: {  	s3 =	sld [smem:$0x3FFE];
	_ =	sdelay $0x1  }
0x8a: {  	s1 =	srdreg.scid  }
0x8b: {  	s0 =	sand.u32 $0x1, s1  }
0x8c: {  	s18 =	sshll.u32 s0, $0xA;
	s2 =	sadd.s32 s3, s2  }
0x8d: {  	s2 =	sadd.s32 s2, s18  }
0x8e: {  	[smem:$0x3FC7] =	sst s2  }
0x8f: {  	_ = 	snop  }
0x90: {  	s2 =	sld [smem:$0x3FC9]  }
0x91: {  	s19 =	sld [smem:$0x3FD0];
	(tm) =	ssettm $0x1  }
0x92: {  	s4 =	sld [smem:$0x3FFB];
	_ =	sdelay $0x3  }
0x93: {  	_ =	strace s4  }
0x94: {  	s4 =	sld [smem:$0x3FFC];
	_ =	sdelay $0x3  }
0x95: {  	_ =	strace s4  }
0x96: {  	s4 =	sld [smem:$0x3FFD];
	_ =	sdelay $0x3  }
0x97: {  	_ =	strace s4  }
0x98: {  	_ =	strace $0x8FFFFFFF  }
0x99: {  	s20 =	sld [smem:$0x3FDB];
	_ =	sdelay $0x1  }
0x9a: {  	s5 =	simm.s32 $_scs_section_size  }
0x9b: {  	s6 =	simm.s32 $_size__tile_overlayer_lowered;
	s7 =	simm.s32 $_tile_overlayer_lowered  }
0x9c: {  	s23 =	simm.s32 $0x1BFF;
	s22 =	sshll.u32 s7, $0x1;
	s4 =	sadd.s32 s5, s20  }
0x9d: {  	s8 =	simm.s32 $0x0;
	s21 =	sshll.u32 s6, $0x1;
	s6 =	sadd.s32 s22, s4  }
0x9e: {  	[timem:s8], [sflag:s23] =	dma.local [hbm:s6], s21  }
0x9f: {  	_ =	swait.ge [sflag:s23], s21  }
0xa0: {  	s5 =	ssub.s32 $0x0, s21;
	[sflag:s23] =	ssyncset.done $0x0  }
0xa1: {  	[sflag:s23] =	ssyncadd.s32 s5;
	_ =	sdelay $0x1  }
0xa2: {  	s24 =	simm.s32 $0x1B8B  }
0xa3: {  	_ =	swait.ge [sflag:s24], $0x1  }
0xa4: {  	[sflag:s24] =	ssyncset.done $0x0  }
0xa5: {  	s25 =	simm.s32 $0x1B8E;
	[sflag:s24] =	ssyncadd.s32 $0xFFFFFFFF  }
0xa6: {  	s26 =	simm.s32 $execute0_lowered;
	[smem:$0x3FD2] =	sst s25  }
0xa7: {  	s5 =	sshll.u32 s26, $0x1;
	_ =	strace $0x80000046;
	[dreg:$0x1] =	wrdreg $0xFFFFFFFF  }
0xa8: {  	s28 =	simm.s32 $_size_execute0_lowered;
	s4 =	sadd.s32 s4, s5;
	[dreg:$0x0] =	wrdreg $0x0  }
0xa9: {  	s5 =	sshll.u32 s28, $0x1;
	[dreg:$0x2] =	wrdreg s4  }
0xaa: {  	[dreg:$0x3] =	wrdreg s5  }
0xab: {  	[dreg:$0x4] =	wrdreg $0xC0  }
0xac: {  	_ =	task [dreg:s8], $0x5FFFF  }
0xad: {  	[dreg:$0x1] =	wrdreg $0xFFFFFFFF  }
0xae: {  	[dreg:$0x0] =	wrdreg $0x60  }
0xaf: {  	[dreg:$0x2] =	wrdreg s2  }
0xb0: {  	[dreg:$0x3] =	wrdreg s19  }
0xb1: {  	[dreg:$0x4] =	wrdreg $0x9  }
0xb2: {  	_ =	task.clear_ibuf [dreg:s8], $0x5FFFF;
	_ =	strace $0x90000046  }
0xb3: {  	s29 =	simm.s32 $0x9;
	_ =	strace $0x80000048  }
0xb4: {  	_ =	swait.ge [sflag:s29], $0x1  }
0xb5: {  	[sflag:s29] =	ssyncadd.s32 $0xFFFFFFFF  }
0xb6: {  	_ =	strace $0x90000048  }
0xb7: {  	_ =	sfence  }
0xb8: {  	s30 =	sld [smem:$0x0];
	_ =	sdelay $0x2  }
0xb9: {  	s31 =	sshll.u32 s1, $0xD;
	s1 =	sshrl.u32 s1, $0x2  }
0xba: {  	s3 =	sand.u32 $0x4000, s31;
	s1 =	sadd.s32 s1, s30  }
0xbb: {  	s0 =	sor.u32 s3, s0;
	s1 =	sshll.u32 s1, $0x11  }
0xbc: {  	s0 =	sor.u32 s1, s0  }
0xbd: {  	s0 =	sadd.s32 $0x8F2B, s0  }
0xbe: {  	[sflag:s0] =	ssyncadd.remote.s32 $0x1  }
0xbf: {  	_ =	sfence.sel $0xFFFF  }
0xc0: {  	[dreg:$0x0] =	wrdreg $0xFFFFFFFF;
	(pc) =	sbr.abs _section_cstart, $3  }
0xc1: {  	[dreg:$0x1] =	wrdreg $0xFFFFFFFF  }
0xc2: {  	_ =	task.clear_ibuf [dreg:s8], $0x2FFFF;
	_ =	strace $0x9FFFFFFF  }
0xc3: {  	(tm) =	ssettm $0x7FFFFFFF  }
tec
execute0_lowered:
.L_overlay_start_1:
0x0: {  	(tag) =	ssettag $0x1  }
0x1: {  	s4 =	rddreg [dreg:$0x0]  }
0x2: {  	s0 =	srdreg.scid;
	s5 =	rddreg [dreg:$0x1]  }
0x3: {  	s2 =	simm.s32 $0x0;
	s10 =	simm.s32 $0x2;
	s3 =	sand.u32 $0x1, s0  }
0x4: {  	s11 =	simm.s32 $0x0;
	s0 =	stileid.u32;
	s1 =	sshll.u32 s3, $0x4  }
0x5: {  	[smem:$0x7FF] =	sst s2;
	s8 =	sshll.u32 s0, $0x7;
	s6 =	sor.u32 s0, s1  }
0x6: {  	s3 =	ssub.s32 $0x2, s3;
	s7 =	sshrl.u32 s6, $0x3;
	s6 =	smul.u32 $0x271, s6  }
0x7: {  	s1 =	rddreg [dreg:$0x2];
	s9 =	sshrl.u32 s3, $0x1;
	s7 =	smul.u32 $0x14000, s7  }
0x8: {  	s8 =	sand.u32 $0x380, s8;
	_ =	strace $0x80000047;
	s31 =	ssub.s32 s3, s9  }
0x9: {  	s9 =	simm.s32 $0x400;
	s3 =	sadd.s32 s4, s6;
	s7 =	sor.u32 s8, s7  }
0xa: {  	s6 =	simm.s32 $0x2800;
	s8 =	simm.s32 $0x80;
	s7 =	sshrl.u32 s7, $0x3  }
0xb: {  	v0 =	vimm.f32 $0.0e+00;
	v1 =	vimm.f32 $1.000000000e+00;
	s4 =	sadd.s32 s5, s7;
	s5 =	smax.u32 s31, $0x1;
	s7 =	simm.s32 $0x1  }
.LBB2_1:
0xc: {  	[tilespmem:s6], [sflag:$0x1] =	stream.linear.gather [hbm4b:s3+s2], $0x1388, $0x38;
	[tilespmem:$0x3C00] =	vst v63  }
0xd: {  	s12 =	simm.s32 $0x40;
	s13 =	simm.s32 $0x0  }
.LBB2_2:
0xe: {  	p0 =	sne.s32 s12, $0x9FC0;
	[tilespmem:s13+$0x0] =	vst v0;
	s13 =	smov.u32 s12;
	s12 =	sadd.s32 $0x40, s12  }
.Ltmp0:
0xf: {  	(pc) =	sbr.rel @p0 .LBB2_2-.Ltmp0, $2  }
0x10: {  	_ =	sdelay $0x2  }
0x11: {  	s13 =	sshra.s32 s13, $0x2  }
0x12: {  	[tilespmem:s13+$0x0] =	vst v0  }
0x13: {  	_ =	swait.ge [sflag:s7], $0x1388  }
0x14: {  	[sflag:s7] =	ssyncset.done $0x0  }
0x15: {  	s13 =	simm.s32 $0x0;
	s12 =	simm.s32 $0x40;
	[sflag:s7] =	ssyncadd.s32 $0xFFFFEC78  }
.LBB2_4:
0x16: {  	p0 =	sne.s32 s12, $0x4DC0;
	v2 =	vld [tilespmem:s13+$0x2800];
	_ =	sdelay $0x3  }
.Ltmp1:
0x17: {  	(pc) =	sbr.rel @p0 .LBB2_4-.Ltmp1, $2  }
0x18: {  	_ =	sdelay $0x2  }
0x19: {  	s13 =	sshra.s32 s12, $0x2;
	s12 =	sadd.s32 $0x40, s12;
	[tilespmem:v2+s2+$0x0] =	vst.idx.add.f32.msk $0xffff, v1  }
0x1a: {  	v2 =	vld [tilespmem:s13+$0x2800];
	_ =	sdelay $0x7  }
0x1b: {  	[tilespmem:v2+s2+$0x0] =	vst.idx.add.f32.msk $0xffff, v1  }
0x1c: {  	v2 =	vld [tilespmem:$0x3B80];
	_ =	sdelay $0x5  }
0x1d: {  	s11 =	sadd.s32 $0x1, s11  }
0x1e: {  	p0 =	sne.s32 s11, s5  }
.Ltmp2:
0x1f: {  	[tilespmem:v2+s2+$0x0] =	vst.idx.add.f32.msk $0xff, v1;
	(pc) =	sbr.rel @p0 .LBB2_1-.Ltmp2, $4  }
0x20: {  	[hbm4b:s4+s8] =	stream.strided.scatter [tilespmem:s2], [sflag:$0x2], $0x2800, s9, s8, $0x38;
	[tilespmem:$0x3C00] =	vst v63  }
0x21: {  	_ =	swait.ge [sflag:s10], $0x2800  }
0x22: {  	[sflag:s10] =	ssyncset.done $0x0  }
0x23: {  	[sflag:s10] =	ssyncadd.s32 $0xFFFFD800  }
0x24: {  	_ =	sfence.sel $0x180000  }
0x25: {  	[bflag:$0x0] =	sbarrier.arrive $0xFFFF  }
0x26: {  	p0 =	sne.s32 s0, $0x0;
	_ =	strace $0x90000047  }
0x27: {  	s0 =	sadd.s32 @!p0 $0x100000, s1;
	[bflag:$0x2] =	sbarrier.arrive $0xFFFF  }
0x28: {  	[sflag:s0] =	ssyncadd.tile.s32 @!p0 $0x1;
	_ =	shalt  }
.Lfunc_end2:
_tile_overlayer_lowered:
.L_overlay_start_2:
0x29: {  	(tag) =	ssettag $0x2  }
0x2a: {  	s0 =	rddreg [dreg:$0x0];
	s2 =	stileid.u32  }
0x2b: {  	s1 =	rddreg [dreg:$0x1];
	p0 =	sne.s32 s2, $0x0  }
0x2c: {  	s3 =	rddreg [dreg:$0x2];
	[bflag:$0x3] =	sbarrier.arrive $0xFFFF;
	s2 =	simm.s32 @!p0 $0x1C02  }
0x2d: {  	[timem:s3], [sflag:s2] =	dma.local @!p0 [hbm:s0], s1  }
0x2e: {  	s0 =	simm.s32 @!p0 $0x2  }
0x2f: {  	_ =	swait.ge @!p0 [sflag:s0], s1  }
0x30: {  	s1 =	ssub.s32 @!p0 $0x0, s1;
	[sflag:s0] =	ssyncset.done @!p0 $0x0  }
0x31: {  	[sflag:s0] =	ssyncadd.s32 @!p0 s1  }
0x32: {  	[bflag:$0x3] =	sbarrier.arrive $0xFFFF  }
0x33: {  	_ =	shalt  }

</sc_bundles>
